<compile_context>
chip_gen: v7x
topology: tpu7x:2x2x1
jax: 0.10.2.dev20260603
libtpu: 0.0.44.dev20260713+nightly
codegen_flags: <defaults>
</compile_context>

<pallas_src>
import functools

import jax
import jax.numpy as jnp
from jax import lax
from jax.experimental import pallas as pl
from jax.experimental.pallas import tpu as pltpu
from jax.experimental.pallas import tpu_sc as plsc

_BATCH = 4096
_SEQ = 200
_B = _BATCH * _SEQ
_D = 128
_NC = 2
_NS = 16
_NW = _NC * _NS
_CHUNK = 128
_PER_W = _B // _NW
_NCHUNK = _PER_W // _CHUNK
_NBUF = 4
_NGROUP = _NCHUNK // _NBUF


def _sc_body(table_hbm, idx_hbm, out_hbm, idx_v, rows_v, isem, gsem, osem):
    wid = lax.axis_index("s") * _NC + lax.axis_index("c")
    base = wid * _PER_W

    cp = pltpu.make_async_copy(idx_hbm.at[wid], idx_v, isem)
    cp.start()
    cp.wait()

    def start_gather(j, b):
        pltpu.make_async_copy(
            table_hbm.at[idx_v.at[j]], rows_v.at[b], gsem.at[b]
        ).start()

    def wait_gather(j, b):
        pltpu.make_async_copy(
            table_hbm.at[idx_v.at[j]], rows_v.at[b], gsem.at[b]
        ).wait()

    def start_out(j, b):
        pltpu.make_async_copy(
            rows_v.at[b], out_hbm.at[pl.ds(base + j * _CHUNK, _CHUNK)], osem.at[b]
        ).start()

    def wait_out(j, b):
        pltpu.make_async_copy(
            rows_v.at[b], out_hbm.at[pl.ds(base + j * _CHUNK, _CHUNK)], osem.at[b]
        ).wait()

    for b in range(_NBUF):
        start_gather(b, b)

    def group(g, carry):
        j0 = g * _NBUF
        for b in range(_NBUF):
            wait_gather(j0 + b, b)
            start_out(j0 + b, b)
        for b in range(_NBUF):
            wait_out(j0 + b, b)

            @pl.when(g + 1 < _NGROUP)
            def _():
                start_gather(j0 + _NBUF + b, b)

        return carry

    lax.fori_loop(0, _NGROUP, group, 0)


_sc_embedding_gather = functools.partial(
    pl.kernel,
    out_type=jax.ShapeDtypeStruct((_B, _D), jnp.float32),
    mesh=plsc.VectorSubcoreMesh(core_axis_name="c", subcore_axis_name="s"),
    scratch_types=[
        pltpu.VMEM((_NCHUNK, _CHUNK), jnp.int32),
        pltpu.VMEM((_NBUF, _CHUNK, _D), jnp.float32),
        pltpu.SemaphoreType.DMA,
        pltpu.SemaphoreType.DMA((_NBUF,)),
        pltpu.SemaphoreType.DMA((_NBUF,)),
    ],
)(_sc_body)


def kernel(genomic_input_ids, embedding_table):
    idx = genomic_input_ids.astype(jnp.int32).reshape(_NW, _NCHUNK, _CHUNK)
    out = _sc_embedding_gather(embedding_table, idx)
    return out.reshape(_BATCH, _SEQ, _D)

# --- scband reference (transcript-rebuilt; emitter-appended) ---
"""Pipeline reference for scband-genomic-embedding-model-1125281432023 (READ-ONLY COPY).

The authoritative reference and input builder live on the scoring server;
editing this copy changes nothing except your own understanding.
"""

import jax, jax.numpy as jnp
import numpy as np

VOCAB = 100000
EMBED_DIM = 128
BATCH = 4096
SEQ = 200

def setup_inputs(seed: int = 0) -> dict:
    key = jax.random.key(seed)
    k_idx, k_tab = jax.random.split(key)
    genomic_input_ids = jax.random.randint(k_idx, (BATCH, SEQ), 0, VOCAB, dtype=jnp.int64 if jax.config.jax_enable_x64 else jnp.int32)
    embedding_table = jax.random.normal(k_tab, (VOCAB, EMBED_DIM), dtype=jnp.float32)
    return {"genomic_input_ids": genomic_input_ids, "embedding_table": embedding_table}

def reference(genomic_input_ids, embedding_table):
    # nn.Embedding lookup: table[idx]
    genomic_embeddings = jnp.take(embedding_table, genomic_input_ids, axis=0)
    return genomic_embeddings

if __name__ == "__main__":
    import jax
    _d = setup_inputs()
    print(jax.jit(kernel)(*tuple(_d.values())))

</pallas_src>

<mosaic_0001>
#map = affine_map<(d0, d1) -> (0, 0)>
#map1 = affine_map<(d0, d1) -> (0, 0, 0)>
module attributes {stable_mosaic.version = 14 : i64} {
  func.func @_sc_body(%arg0: i32, %arg1: i32, %arg2: memref<100000x128xf32, #tpu.memory_space<hbm>>, %arg3: memref<32x200x128xi32, #tpu.memory_space<hbm>>, %arg4: memref<819200x128xf32, #tpu.memory_space<hbm>>, %arg5: memref<200x128xi32, #tpu.memory_space<vmem>>, %arg6: memref<4x128x128xf32, #tpu.memory_space<vmem>>, %arg7: memref<!tpu.dma_semaphore, #tpu.memory_space<semaphore_mem>>, %arg8: memref<4x!tpu.dma_semaphore, #tpu.memory_space<semaphore_mem>>, %arg9: memref<4x!tpu.dma_semaphore, #tpu.memory_space<semaphore_mem>>) attributes {dimension_semantics = [#tpu.dimension_semantics<core_parallel>, #tpu.dimension_semantics<subcore_parallel>], iteration_bounds = array<i64: 2, 16>, scalar_prefetch = 0 : i64, scratch_operands = 5 : i64, tpu.core_type = #tpu.core_type<sc_vector_subcore>, window_params = [{transform_indices = #map}, {transform_indices = #map1}, {transform_indices = #map}]} {
    %mul3A = arith.constant 2 : i32
    %mul3A_0 = arith.muli %arg1, %mul3A : i32
    %add3A = arith.addi %mul3A_0, %arg0 : i32
    %mul3A_1 = arith.constant 25600 : i32
    %mul3A_2 = arith.muli %add3A, %mul3A_1 : i32
    %dma_start3A = arith.constant 0 : i32
    %dma_start3A_3 = arith.constant 0 : i32
    %dma_start3A_4 = tpu.memref_slice %arg3[%add3A, %dma_start3A, %dma_start3A_3] : memref<32x200x128xi32, #tpu.memory_space<hbm>> -> memref<1x200x128xi32, #tpu.memory_space<hbm>>
    %dma_start3A_5 = tpu.memref_squeeze %dma_start3A_4 : memref<1x200x128xi32, #tpu.memory_space<hbm>> -> memref<200x128xi32, #tpu.memory_space<hbm>>
    %dma_start3A_6 = arith.constant 0 : i32
    %dma_start3A_7 = arith.constant 0 : i32
    %dma_start3A_8 = tpu.memref_slice %arg3[%add3A, %dma_start3A_6, %dma_start3A_7] : memref<32x200x128xi32, #tpu.memory_space<hbm>> -> memref<1x200x128xi32, #tpu.memory_space<hbm>>
    %dma_start3A_9 = tpu.memref_squeeze %dma_start3A_8 : memref<1x200x128xi32, #tpu.memory_space<hbm>> -> memref<200x128xi32, #tpu.memory_space<hbm>>
    tpu.enqueue_dma source(%dma_start3A_9 : memref<200x128xi32, #tpu.memory_space<hbm>>) target(%arg5 : memref<200x128xi32, #tpu.memory_space<vmem>>) target_semaphore(%arg7 : memref<!tpu.dma_semaphore, #tpu.memory_space<semaphore_mem>>)
    %dma_wait3A = arith.constant 0 : i32
    %dma_wait3A_10 = arith.constant 0 : i32
    %dma_wait3A_11 = tpu.memref_slice %arg3[%add3A, %dma_wait3A, %dma_wait3A_10] : memref<32x200x128xi32, #tpu.memory_space<hbm>> -> memref<1x200x128xi32, #tpu.memory_space<hbm>>
    %dma_wait3A_12 = tpu.memref_squeeze %dma_wait3A_11 : memref<1x200x128xi32, #tpu.memory_space<hbm>> -> memref<200x128xi32, #tpu.memory_space<hbm>>
    %dma_wait3A_13 = arith.constant 0 : i32
    %dma_wait3A_14 = arith.constant 0 : i32
    %dma_wait3A_15 = tpu.memref_slice %arg3[%add3A, %dma_wait3A_13, %dma_wait3A_14] : memref<32x200x128xi32, #tpu.memory_space<hbm>> -> memref<1x200x128xi32, #tpu.memory_space<hbm>>
    %dma_wait3A_16 = tpu.memref_squeeze %dma_wait3A_15 : memref<1x200x128xi32, #tpu.memory_space<hbm>> -> memref<200x128xi32, #tpu.memory_space<hbm>>
    tpu.wait_dma2 semaphore(%arg7 : memref<!tpu.dma_semaphore, #tpu.memory_space<semaphore_mem>>) src(%dma_wait3A_16 : memref<200x128xi32, #tpu.memory_space<hbm>>) dst(%arg5 : memref<200x128xi32, #tpu.memory_space<vmem>>)
    %dma_start3A_17 = arith.constant 0 : i32
    %dma_start3A_18 = arith.constant 0 : i32
    %dma_start3A_19 = arith.constant 0 : i32
    %dma_start3A_20 = arith.constant 0 : i32
    %dma_start3A_21 = arith.constant 0 : i32
    %dma_start3A_22 = tpu.memref_slice %arg6[%dma_start3A_18, %dma_start3A_20, %dma_start3A_21] : memref<4x128x128xf32, #tpu.memory_space<vmem>> -> memref<1x128x128xf32, #tpu.memory_space<vmem>>
    %dma_start3A_23 = tpu.memref_squeeze %dma_start3A_22 : memref<1x128x128xf32, #tpu.memory_space<vmem>> -> memref<128x128xf32, #tpu.memory_space<vmem>>
    %dma_start3A_24 = arith.constant 0 : i32
    %dma_start3A_25 = tpu.memref_slice %arg5[%dma_start3A_17, %dma_start3A_24] : memref<200x128xi32, #tpu.memory_space<vmem>> -> memref<1x128xi32, #tpu.memory_space<vmem>>
    %dma_start3A_26 = tpu.memref_squeeze %dma_start3A_25 : memref<1x128xi32, #tpu.memory_space<vmem>> -> memref<128xi32, #tpu.memory_space<vmem>>
    %dma_start3A_27 = arith.constant 0 : i32
    %dma_start3A_28 = arith.constant 0 : i32
    %dma_start3A_29 = tpu.memref_slice %arg2[%dma_start3A_27, %dma_start3A_28] : memref<100000x128xf32, #tpu.memory_space<hbm>> -> memref<100000x128xf32, #tpu.memory_space<hbm>>
    %dma_start3A_30 = tpu.memref_slice %arg8[%dma_start3A_19] : memref<4x!tpu.dma_semaphore, #tpu.memory_space<semaphore_mem>> -> memref<1x!tpu.dma_semaphore, #tpu.memory_space<semaphore_mem>>
    %dma_start3A_31 = tpu.memref_squeeze %dma_start3A_30 : memref<1x!tpu.dma_semaphore, #tpu.memory_space<semaphore_mem>> -> memref<!tpu.dma_semaphore, #tpu.memory_space<semaphore_mem>>
    tpu.enqueue_indirect_dma source(%dma_start3A_29 : memref<100000x128xf32, #tpu.memory_space<hbm>>) target(%dma_start3A_23 : memref<128x128xf32, #tpu.memory_space<vmem>>) offsets(%dma_start3A_26 : memref<128xi32, #tpu.memory_space<vmem>>) semaphore(%dma_start3A_31 : memref<!tpu.dma_semaphore, #tpu.memory_space<semaphore_mem>>)
    %dma_start3A_32 = arith.constant 1 : i32
    %dma_start3A_33 = arith.constant 1 : i32
    %dma_start3A_34 = arith.constant 1 : i32
    %dma_start3A_35 = arith.constant 0 : i32
    %dma_start3A_36 = arith.constant 0 : i32
    %dma_start3A_37 = tpu.memref_slice %arg6[%dma_start3A_33, %dma_start3A_35, %dma_start3A_36] : memref<4x128x128xf32, #tpu.memory_space<vmem>> -> memref<1x128x128xf32, #tpu.memory_space<vmem>>
    %dma_start3A_38 = tpu.memref_squeeze %dma_start3A_37 : memref<1x128x128xf32, #tpu.memory_space<vmem>> -> memref<128x128xf32, #tpu.memory_space<vmem>>
    %dma_start3A_39 = arith.constant 0 : i32
    %dma_start3A_40 = tpu.memref_slice %arg5[%dma_start3A_32, %dma_start3A_39] : memref<200x128xi32, #tpu.memory_space<vmem>> -> memref<1x128xi32, #tpu.memory_space<vmem>>
    %dma_start3A_41 = tpu.memref_squeeze %dma_start3A_40 : memref<1x128xi32, #tpu.memory_space<vmem>> -> memref<128xi32, #tpu.memory_space<vmem>>
    %dma_start3A_42 = arith.constant 0 : i32
    %dma_start3A_43 = arith.constant 0 : i32
    %dma_start3A_44 = tpu.memref_slice %arg2[%dma_start3A_42, %dma_start3A_43] : memref<100000x128xf32, #tpu.memory_space<hbm>> -> memref<100000x128xf32, #tpu.memory_space<hbm>>
    %dma_start3A_45 = tpu.memref_slice %arg8[%dma_start3A_34] : memref<4x!tpu.dma_semaphore, #tpu.memory_space<semaphore_mem>> -> memref<1x!tpu.dma_semaphore, #tpu.memory_space<semaphore_mem>>
    %dma_start3A_46 = tpu.memref_squeeze %dma_start3A_45 : memref<1x!tpu.dma_semaphore, #tpu.memory_space<semaphore_mem>> -> memref<!tpu.dma_semaphore, #tpu.memory_space<semaphore_mem>>
    tpu.enqueue_indirect_dma source(%dma_start3A_44 : memref<100000x128xf32, #tpu.memory_space<hbm>>) target(%dma_start3A_38 : memref<128x128xf32, #tpu.memory_space<vmem>>) offsets(%dma_start3A_41 : memref<128xi32, #tpu.memory_space<vmem>>) semaphore(%dma_start3A_46 : memref<!tpu.dma_semaphore, #tpu.memory_space<semaphore_mem>>)
    %dma_start3A_47 = arith.constant 2 : i32
    %dma_start3A_48 = arith.constant 2 : i32
    %dma_start3A_49 = arith.constant 2 : i32
    %dma_start3A_50 = arith.constant 0 : i32
    %dma_start3A_51 = arith.constant 0 : i32
    %dma_start3A_52 = tpu.memref_slice %arg6[%dma_start3A_48, %dma_start3A_50, %dma_start3A_51] : memref<4x128x128xf32, #tpu.memory_space<vmem>> -> memref<1x128x128xf32, #tpu.memory_space<vmem>>
    %dma_start3A_53 = tpu.memref_squeeze %dma_start3A_52 : memref<1x128x128xf32, #tpu.memory_space<vmem>> -> memref<128x128xf32, #tpu.memory_space<vmem>>
    %dma_start3A_54 = arith.constant 0 : i32
    %dma_start3A_55 = tpu.memref_slice %arg5[%dma_start3A_47, %dma_start3A_54] : memref<200x128xi32, #tpu.memory_space<vmem>> -> memref<1x128xi32, #tpu.memory_space<vmem>>
    %dma_start3A_56 = tpu.memref_squeeze %dma_start3A_55 : memref<1x128xi32, #tpu.memory_space<vmem>> -> memref<128xi32, #tpu.memory_space<vmem>>
    %dma_start3A_57 = arith.constant 0 : i32
    %dma_start3A_58 = arith.constant 0 : i32
    %dma_start3A_59 = tpu.memref_slice %arg2[%dma_start3A_57, %dma_start3A_58] : memref<100000x128xf32, #tpu.memory_space<hbm>> -> memref<100000x128xf32, #tpu.memory_space<hbm>>
    %dma_start3A_60 = tpu.memref_slice %arg8[%dma_start3A_49] : memref<4x!tpu.dma_semaphore, #tpu.memory_space<semaphore_mem>> -> memref<1x!tpu.dma_semaphore, #tpu.memory_space<semaphore_mem>>
    %dma_start3A_61 = tpu.memref_squeeze %dma_start3A_60 : memref<1x!tpu.dma_semaphore, #tpu.memory_space<semaphore_mem>> -> memref<!tpu.dma_semaphore, #tpu.memory_space<semaphore_mem>>
    tpu.enqueue_indirect_dma source(%dma_start3A_59 : memref<100000x128xf32, #tpu.memory_space<hbm>>) target(%dma_start3A_53 : memref<128x128xf32, #tpu.memory_space<vmem>>) offsets(%dma_start3A_56 : memref<128xi32, #tpu.memory_space<vmem>>) semaphore(%dma_start3A_61 : memref<!tpu.dma_semaphore, #tpu.memory_space<semaphore_mem>>)
    %dma_start3A_62 = arith.constant 3 : i32
    %dma_start3A_63 = arith.constant 3 : i32
    %dma_start3A_64 = arith.constant 3 : i32
    %dma_start3A_65 = arith.constant 0 : i32
    %dma_start3A_66 = arith.constant 0 : i32
    %dma_start3A_67 = tpu.memref_slice %arg6[%dma_start3A_63, %dma_start3A_65, %dma_start3A_66] : memref<4x128x128xf32, #tpu.memory_space<vmem>> -> memref<1x128x128xf32, #tpu.memory_space<vmem>>
    %dma_start3A_68 = tpu.memref_squeeze %dma_start3A_67 : memref<1x128x128xf32, #tpu.memory_space<vmem>> -> memref<128x128xf32, #tpu.memory_space<vmem>>
    %dma_start3A_69 = arith.constant 0 : i32
    %dma_start3A_70 = tpu.memref_slice %arg5[%dma_start3A_62, %dma_start3A_69] : memref<200x128xi32, #tpu.memory_space<vmem>> -> memref<1x128xi32, #tpu.memory_space<vmem>>
    %dma_start3A_71 = tpu.memref_squeeze %dma_start3A_70 : memref<1x128xi32, #tpu.memory_space<vmem>> -> memref<128xi32, #tpu.memory_space<vmem>>
    %dma_start3A_72 = arith.constant 0 : i32
    %dma_start3A_73 = arith.constant 0 : i32
    %dma_start3A_74 = tpu.memref_slice %arg2[%dma_start3A_72, %dma_start3A_73] : memref<100000x128xf32, #tpu.memory_space<hbm>> -> memref<100000x128xf32, #tpu.memory_space<hbm>>
    %dma_start3A_75 = tpu.memref_slice %arg8[%dma_start3A_64] : memref<4x!tpu.dma_semaphore, #tpu.memory_space<semaphore_mem>> -> memref<1x!tpu.dma_semaphore, #tpu.memory_space<semaphore_mem>>
    %dma_start3A_76 = tpu.memref_squeeze %dma_start3A_75 : memref<1x!tpu.dma_semaphore, #tpu.memory_space<semaphore_mem>> -> memref<!tpu.dma_semaphore, #tpu.memory_space<semaphore_mem>>
    tpu.enqueue_indirect_dma source(%dma_start3A_74 : memref<100000x128xf32, #tpu.memory_space<hbm>>) target(%dma_start3A_68 : memref<128x128xf32, #tpu.memory_space<vmem>>) offsets(%dma_start3A_71 : memref<128xi32, #tpu.memory_space<vmem>>) semaphore(%dma_start3A_76 : memref<!tpu.dma_semaphore, #tpu.memory_space<semaphore_mem>>)
    %scan3A = arith.constant 0 : i32
    %scan3A_77 = arith.constant 0 : i32
    %scan3A_78 = arith.constant 50 : i32
    %scan3A_79 = arith.addi %scan3A_77, %scan3A_78 : i32
    %scan3A_80 = arith.constant 1 : i32
    scf.for %scan3A_82 = %scan3A_77 to %scan3A_79 step %scan3A_80  : i32 {
      %mul3A_83 = arith.constant 4 : i32
      %mul3A_84 = arith.muli %scan3A_82, %mul3A_83 : i32
      %add3A_85 = arith.constant 0 : i32
      %add3A_86 = arith.addi %mul3A_84, %add3A_85 : i32
      %dma_wait3A_87 = arith.constant 0 : i32
      %dma_wait3A_88 = arith.constant 0 : i32
      %dma_wait3A_89 = arith.constant 0 : i32
      %dma_wait3A_90 = arith.constant 0 : i32
      %dma_wait3A_91 = tpu.memref_slice %arg6[%dma_wait3A_87, %dma_wait3A_89, %dma_wait3A_90] : memref<4x128x128xf32, #tpu.memory_space<vmem>> -> memref<1x128x128xf32, #tpu.memory_space<vmem>>
      %dma_wait3A_92 = tpu.memref_squeeze %dma_wait3A_91 : memref<1x128x128xf32, #tpu.memory_space<vmem>> -> memref<128x128xf32, #tpu.memory_space<vmem>>
      %dma_wait3A_93 = arith.constant 0 : i32
      %dma_wait3A_94 = tpu.memref_slice %arg5[%add3A_86, %dma_wait3A_93] : memref<200x128xi32, #tpu.memory_space<vmem>> -> memref<1x128xi32, #tpu.memory_space<vmem>>
      %dma_wait3A_95 = tpu.memref_squeeze %dma_wait3A_94 : memref<1x128xi32, #tpu.memory_space<vmem>> -> memref<128xi32, #tpu.memory_space<vmem>>
      %dma_wait3A_96 = arith.constant 0 : i32
      %dma_wait3A_97 = arith.constant 0 : i32
      %dma_wait3A_98 = tpu.memref_slice %arg2[%dma_wait3A_96, %dma_wait3A_97] : memref<100000x128xf32, #tpu.memory_space<hbm>> -> memref<100000x128xf32, #tpu.memory_space<hbm>>
      %dma_wait3A_99 = tpu.memref_slice %arg8[%dma_wait3A_88] : memref<4x!tpu.dma_semaphore, #tpu.memory_space<semaphore_mem>> -> memref<1x!tpu.dma_semaphore, #tpu.memory_space<semaphore_mem>>
      %dma_wait3A_100 = tpu.memref_squeeze %dma_wait3A_99 : memref<1x!tpu.dma_semaphore, #tpu.memory_space<semaphore_mem>> -> memref<!tpu.dma_semaphore, #tpu.memory_space<semaphore_mem>>
      tpu.wait_indirect_dma semaphore(%dma_wait3A_100 : memref<!tpu.dma_semaphore, #tpu.memory_space<semaphore_mem>>) src(%dma_wait3A_98 : memref<100000x128xf32, #tpu.memory_space<hbm>>) dst(%dma_wait3A_92 : memref<128x128xf32, #tpu.memory_space<vmem>>)
      %add3A_101 = arith.constant 0 : i32
      %add3A_102 = arith.addi %mul3A_84, %add3A_101 : i32
      %mul3A_103 = arith.constant 128 : i32
      %mul3A_104 = arith.muli %add3A_102, %mul3A_103 : i32
      %add3A_105 = arith.addi %mul3A_2, %mul3A_104 : i32
      %dma_start3A_106 = arith.constant 0 : i32
      %dma_start3A_107 = arith.constant 0 : i32
      %dma_start3A_108 = arith.constant 0 : i32
      %dma_start3A_109 = arith.constant 0 : i32
      %dma_start3A_110 = tpu.memref_slice %arg6[%dma_start3A_106, %dma_start3A_108, %dma_start3A_109] : memref<4x128x128xf32, #tpu.memory_space<vmem>> -> memref<1x128x128xf32, #tpu.memory_space<vmem>>
      %dma_start3A_111 = tpu.memref_squeeze %dma_start3A_110 : memref<1x128x128xf32, #tpu.memory_space<vmem>> -> memref<128x128xf32, #tpu.memory_space<vmem>>
      %dma_start3A_112 = arith.constant 0 : i32
      %dma_start3A_113 = tpu.memref_slice %arg4[%add3A_105, %dma_start3A_112] : memref<819200x128xf32, #tpu.memory_space<hbm>> -> memref<128x128xf32, #tpu.memory_space<hbm>>
      %dma_start3A_114 = tpu.memref_slice %arg9[%dma_start3A_107] : memref<4x!tpu.dma_semaphore, #tpu.memory_space<semaphore_mem>> -> memref<1x!tpu.dma_semaphore, #tpu.memory_space<semaphore_mem>>
      %dma_start3A_115 = tpu.memref_squeeze %dma_start3A_114 : memref<1x!tpu.dma_semaphore, #tpu.memory_space<semaphore_mem>> -> memref<!tpu.dma_semaphore, #tpu.memory_space<semaphore_mem>>
      %dma_start3A_116 = arith.constant 0 : i32
      %dma_start3A_117 = tpu.memref_slice %arg4[%add3A_105, %dma_start3A_116] : memref<819200x128xf32, #tpu.memory_space<hbm>> -> memref<128x128xf32, #tpu.memory_space<hbm>>
      %dma_start3A_118 = arith.constant 0 : i32
      %dma_start3A_119 = arith.constant 0 : i32
      %dma_start3A_120 = tpu.memref_slice %arg6[%dma_start3A_106, %dma_start3A_118, %dma_start3A_119] : memref<4x128x128xf32, #tpu.memory_space<vmem>> -> memref<1x128x128xf32, #tpu.memory_space<vmem>>
      %dma_start3A_121 = tpu.memref_squeeze %dma_start3A_120 : memref<1x128x128xf32, #tpu.memory_space<vmem>> -> memref<128x128xf32, #tpu.memory_space<vmem>>
      tpu.enqueue_dma source(%dma_start3A_121 : memref<128x128xf32, #tpu.memory_space<vmem>>) target(%dma_start3A_117 : memref<128x128xf32, #tpu.memory_space<hbm>>) target_semaphore(%dma_start3A_115 : memref<!tpu.dma_semaphore, #tpu.memory_space<semaphore_mem>>)
      %add3A_122 = arith.constant 1 : i32
      %add3A_123 = arith.addi %mul3A_84, %add3A_122 : i32
      %dma_wait3A_124 = arith.constant 1 : i32
      %dma_wait3A_125 = arith.constant 1 : i32
      %dma_wait3A_126 = arith.constant 0 : i32
      %dma_wait3A_127 = arith.constant 0 : i32
      %dma_wait3A_128 = tpu.memref_slice %arg6[%dma_wait3A_124, %dma_wait3A_126, %dma_wait3A_127] : memref<4x128x128xf32, #tpu.memory_space<vmem>> -> memref<1x128x128xf32, #tpu.memory_space<vmem>>
      %dma_wait3A_129 = tpu.memref_squeeze %dma_wait3A_128 : memref<1x128x128xf32, #tpu.memory_space<vmem>> -> memref<128x128xf32, #tpu.memory_space<vmem>>
      %dma_wait3A_130 = arith.constant 0 : i32
      %dma_wait3A_131 = tpu.memref_slice %arg5[%add3A_123, %dma_wait3A_130] : memref<200x128xi32, #tpu.memory_space<vmem>> -> memref<1x128xi32, #tpu.memory_space<vmem>>
      %dma_wait3A_132 = tpu.memref_squeeze %dma_wait3A_131 : memref<1x128xi32, #tpu.memory_space<vmem>> -> memref<128xi32, #tpu.memory_space<vmem>>
      %dma_wait3A_133 = arith.constant 0 : i32
      %dma_wait3A_134 = arith.constant 0 : i32
      %dma_wait3A_135 = tpu.memref_slice %arg2[%dma_wait3A_133, %dma_wait3A_134] : memref<100000x128xf32, #tpu.memory_space<hbm>> -> memref<100000x128xf32, #tpu.memory_space<hbm>>
      %dma_wait3A_136 = tpu.memref_slice %arg8[%dma_wait3A_125] : memref<4x!tpu.dma_semaphore, #tpu.memory_space<semaphore_mem>> -> memref<1x!tpu.dma_semaphore, #tpu.memory_space<semaphore_mem>>
      %dma_wait3A_137 = tpu.memref_squeeze %dma_wait3A_136 : memref<1x!tpu.dma_semaphore, #tpu.memory_space<semaphore_mem>> -> memref<!tpu.dma_semaphore, #tpu.memory_space<semaphore_mem>>
      tpu.wait_indirect_dma semaphore(%dma_wait3A_137 : memref<!tpu.dma_semaphore, #tpu.memory_space<semaphore_mem>>) src(%dma_wait3A_135 : memref<100000x128xf32, #tpu.memory_space<hbm>>) dst(%dma_wait3A_129 : memref<128x128xf32, #tpu.memory_space<vmem>>)
      %add3A_138 = arith.constant 1 : i32
      %add3A_139 = arith.addi %mul3A_84, %add3A_138 : i32
      %mul3A_140 = arith.constant 128 : i32
      %mul3A_141 = arith.muli %add3A_139, %mul3A_140 : i32
      %add3A_142 = arith.addi %mul3A_2, %mul3A_141 : i32
      %dma_start3A_143 = arith.constant 1 : i32
      %dma_start3A_144 = arith.constant 1 : i32
      %dma_start3A_145 = arith.constant 0 : i32
      %dma_start3A_146 = arith.constant 0 : i32
      %dma_start3A_147 = tpu.memref_slice %arg6[%dma_start3A_143, %dma_start3A_145, %dma_start3A_146] : memref<4x128x128xf32, #tpu.memory_space<vmem>> -> memref<1x128x128xf32, #tpu.memory_space<vmem>>
      %dma_start3A_148 = tpu.memref_squeeze %dma_start3A_147 : memref<1x128x128xf32, #tpu.memory_space<vmem>> -> memref<128x128xf32, #tpu.memory_space<vmem>>
      %dma_start3A_149 = arith.constant 0 : i32
      %dma_start3A_150 = tpu.memref_slice %arg4[%add3A_142, %dma_start3A_149] : memref<819200x128xf32, #tpu.memory_space<hbm>> -> memref<128x128xf32, #tpu.memory_space<hbm>>
      %dma_start3A_151 = tpu.memref_slice %arg9[%dma_start3A_144] : memref<4x!tpu.dma_semaphore, #tpu.memory_space<semaphore_mem>> -> memref<1x!tpu.dma_semaphore, #tpu.memory_space<semaphore_mem>>
      %dma_start3A_152 = tpu.memref_squeeze %dma_start3A_151 : memref<1x!tpu.dma_semaphore, #tpu.memory_space<semaphore_mem>> -> memref<!tpu.dma_semaphore, #tpu.memory_space<semaphore_mem>>
      %dma_start3A_153 = arith.constant 0 : i32
      %dma_start3A_154 = tpu.memref_slice %arg4[%add3A_142, %dma_start3A_153] : memref<819200x128xf32, #tpu.memory_space<hbm>> -> memref<128x128xf32, #tpu.memory_space<hbm>>
      %dma_start3A_155 = arith.constant 0 : i32
      %dma_start3A_156 = arith.constant 0 : i32
      %dma_start3A_157 = tpu.memref_slice %arg6[%dma_start3A_143, %dma_start3A_155, %dma_start3A_156] : memref<4x128x128xf32, #tpu.memory_space<vmem>> -> memref<1x128x128xf32, #tpu.memory_space<vmem>>
      %dma_start3A_158 = tpu.memref_squeeze %dma_start3A_157 : memref<1x128x128xf32, #tpu.memory_space<vmem>> -> memref<128x128xf32, #tpu.memory_space<vmem>>
      tpu.enqueue_dma source(%dma_start3A_158 : memref<128x128xf32, #tpu.memory_space<vmem>>) target(%dma_start3A_154 : memref<128x128xf32, #tpu.memory_space<hbm>>) target_semaphore(%dma_start3A_152 : memref<!tpu.dma_semaphore, #tpu.memory_space<semaphore_mem>>)
      %add3A_159 = arith.constant 2 : i32
      %add3A_160 = arith.addi %mul3A_84, %add3A_159 : i32
      %dma_wait3A_161 = arith.constant 2 : i32
      %dma_wait3A_162 = arith.constant 2 : i32
      %dma_wait3A_163 = arith.constant 0 : i32
      %dma_wait3A_164 = arith.constant 0 : i32
      %dma_wait3A_165 = tpu.memref_slice %arg6[%dma_wait3A_161, %dma_wait3A_163, %dma_wait3A_164] : memref<4x128x128xf32, #tpu.memory_space<vmem>> -> memref<1x128x128xf32, #tpu.memory_space<vmem>>
      %dma_wait3A_166 = tpu.memref_squeeze %dma_wait3A_165 : memref<1x128x128xf32, #tpu.memory_space<vmem>> -> memref<128x128xf32, #tpu.memory_space<vmem>>
      %dma_wait3A_167 = arith.constant 0 : i32
      %dma_wait3A_168 = tpu.memref_slice %arg5[%add3A_160, %dma_wait3A_167] : memref<200x128xi32, #tpu.memory_space<vmem>> -> memref<1x128xi32, #tpu.memory_space<vmem>>
      %dma_wait3A_169 = tpu.memref_squeeze %dma_wait3A_168 : memref<1x128xi32, #tpu.memory_space<vmem>> -> memref<128xi32, #tpu.memory_space<vmem>>
      %dma_wait3A_170 = arith.constant 0 : i32
      %dma_wait3A_171 = arith.constant 0 : i32
      %dma_wait3A_172 = tpu.memref_slice %arg2[%dma_wait3A_170, %dma_wait3A_171] : memref<100000x128xf32, #tpu.memory_space<hbm>> -> memref<100000x128xf32, #tpu.memory_space<hbm>>
      %dma_wait3A_173 = tpu.memref_slice %arg8[%dma_wait3A_162] : memref<4x!tpu.dma_semaphore, #tpu.memory_space<semaphore_mem>> -> memref<1x!tpu.dma_semaphore, #tpu.memory_space<semaphore_mem>>
      %dma_wait3A_174 = tpu.memref_squeeze %dma_wait3A_173 : memref<1x!tpu.dma_semaphore, #tpu.memory_space<semaphore_mem>> -> memref<!tpu.dma_semaphore, #tpu.memory_space<semaphore_mem>>
      tpu.wait_indirect_dma semaphore(%dma_wait3A_174 : memref<!tpu.dma_semaphore, #tpu.memory_space<semaphore_mem>>) src(%dma_wait3A_172 : memref<100000x128xf32, #tpu.memory_space<hbm>>) dst(%dma_wait3A_166 : memref<128x128xf32, #tpu.memory_space<vmem>>)
      %add3A_175 = arith.constant 2 : i32
      %add3A_176 = arith.addi %mul3A_84, %add3A_175 : i32
      %mul3A_177 = arith.constant 128 : i32
      %mul3A_178 = arith.muli %add3A_176, %mul3A_177 : i32
      %add3A_179 = arith.addi %mul3A_2, %mul3A_178 : i32
      %dma_start3A_180 = arith.constant 2 : i32
      %dma_start3A_181 = arith.constant 2 : i32
      %dma_start3A_182 = arith.constant 0 : i32
      %dma_start3A_183 = arith.constant 0 : i32
      %dma_start3A_184 = tpu.memref_slice %arg6[%dma_start3A_180, %dma_start3A_182, %dma_start3A_183] : memref<4x128x128xf32, #tpu.memory_space<vmem>> -> memref<1x128x128xf32, #tpu.memory_space<vmem>>
      %dma_start3A_185 = tpu.memref_squeeze %dma_start3A_184 : memref<1x128x128xf32, #tpu.memory_space<vmem>> -> memref<128x128xf32, #tpu.memory_space<vmem>>
      %dma_start3A_186 = arith.constant 0 : i32
      %dma_start3A_187 = tpu.memref_slice %arg4[%add3A_179, %dma_start3A_186] : memref<819200x128xf32, #tpu.memory_space<hbm>> -> memref<128x128xf32, #tpu.memory_space<hbm>>
      %dma_start3A_188 = tpu.memref_slice %arg9[%dma_start3A_181] : memref<4x!tpu.dma_semaphore, #tpu.memory_space<semaphore_mem>> -> memref<1x!tpu.dma_semaphore, #tpu.memory_space<semaphore_mem>>
      %dma_start3A_189 = tpu.memref_squeeze %dma_start3A_188 : memref<1x!tpu.dma_semaphore, #tpu.memory_space<semaphore_mem>> -> memref<!tpu.dma_semaphore, #tpu.memory_space<semaphore_mem>>
      %dma_start3A_190 = arith.constant 0 : i32
      %dma_start3A_191 = tpu.memref_slice %arg4[%add3A_179, %dma_start3A_190] : memref<819200x128xf32, #tpu.memory_space<hbm>> -> memref<128x128xf32, #tpu.memory_space<hbm>>
      %dma_start3A_192 = arith.constant 0 : i32
      %dma_start3A_193 = arith.constant 0 : i32
      %dma_start3A_194 = tpu.memref_slice %arg6[%dma_start3A_180, %dma_start3A_192, %dma_start3A_193] : memref<4x128x128xf32, #tpu.memory_space<vmem>> -> memref<1x128x128xf32, #tpu.memory_space<vmem>>
      %dma_start3A_195 = tpu.memref_squeeze %dma_start3A_194 : memref<1x128x128xf32, #tpu.memory_space<vmem>> -> memref<128x128xf32, #tpu.memory_space<vmem>>
      tpu.enqueue_dma source(%dma_start3A_195 : memref<128x128xf32, #tpu.memory_space<vmem>>) target(%dma_start3A_191 : memref<128x128xf32, #tpu.memory_space<hbm>>) target_semaphore(%dma_start3A_189 : memref<!tpu.dma_semaphore, #tpu.memory_space<semaphore_mem>>)
      %add3A_196 = arith.constant 3 : i32
      %add3A_197 = arith.addi %mul3A_84, %add3A_196 : i32
      %dma_wait3A_198 = arith.constant 3 : i32
      %dma_wait3A_199 = arith.constant 3 : i32
      %dma_wait3A_200 = arith.constant 0 : i32
      %dma_wait3A_201 = arith.constant 0 : i32
      %dma_wait3A_202 = tpu.memref_slice %arg6[%dma_wait3A_198, %dma_wait3A_200, %dma_wait3A_201] : memref<4x128x128xf32, #tpu.memory_space<vmem>> -> memref<1x128x128xf32, #tpu.memory_space<vmem>>
      %dma_wait3A_203 = tpu.memref_squeeze %dma_wait3A_202 : memref<1x128x128xf32, #tpu.memory_space<vmem>> -> memref<128x128xf32, #tpu.memory_space<vmem>>
      %dma_wait3A_204 = arith.constant 0 : i32
      %dma_wait3A_205 = tpu.memref_slice %arg5[%add3A_197, %dma_wait3A_204] : memref<200x128xi32, #tpu.memory_space<vmem>> -> memref<1x128xi32, #tpu.memory_space<vmem>>
      %dma_wait3A_206 = tpu.memref_squeeze %dma_wait3A_205 : memref<1x128xi32, #tpu.memory_space<vmem>> -> memref<128xi32, #tpu.memory_space<vmem>>
      %dma_wait3A_207 = arith.constant 0 : i32
      %dma_wait3A_208 = arith.constant 0 : i32
      %dma_wait3A_209 = tpu.memref_slice %arg2[%dma_wait3A_207, %dma_wait3A_208] : memref<100000x128xf32, #tpu.memory_space<hbm>> -> memref<100000x128xf32, #tpu.memory_space<hbm>>
      %dma_wait3A_210 = tpu.memref_slice %arg8[%dma_wait3A_199] : memref<4x!tpu.dma_semaphore, #tpu.memory_space<semaphore_mem>> -> memref<1x!tpu.dma_semaphore, #tpu.memory_space<semaphore_mem>>
      %dma_wait3A_211 = tpu.memref_squeeze %dma_wait3A_210 : memref<1x!tpu.dma_semaphore, #tpu.memory_space<semaphore_mem>> -> memref<!tpu.dma_semaphore, #tpu.memory_space<semaphore_mem>>
      tpu.wait_indirect_dma semaphore(%dma_wait3A_211 : memref<!tpu.dma_semaphore, #tpu.memory_space<semaphore_mem>>) src(%dma_wait3A_209 : memref<100000x128xf32, #tpu.memory_space<hbm>>) dst(%dma_wait3A_203 : memref<128x128xf32, #tpu.memory_space<vmem>>)
      %add3A_212 = arith.constant 3 : i32
      %add3A_213 = arith.addi %mul3A_84, %add3A_212 : i32
      %mul3A_214 = arith.constant 128 : i32
      %mul3A_215 = arith.muli %add3A_213, %mul3A_214 : i32
      %add3A_216 = arith.addi %mul3A_2, %mul3A_215 : i32
      %dma_start3A_217 = arith.constant 3 : i32
      %dma_start3A_218 = arith.constant 3 : i32
      %dma_start3A_219 = arith.constant 0 : i32
      %dma_start3A_220 = arith.constant 0 : i32
      %dma_start3A_221 = tpu.memref_slice %arg6[%dma_start3A_217, %dma_start3A_219, %dma_start3A_220] : memref<4x128x128xf32, #tpu.memory_space<vmem>> -> memref<1x128x128xf32, #tpu.memory_space<vmem>>
      %dma_start3A_222 = tpu.memref_squeeze %dma_start3A_221 : memref<1x128x128xf32, #tpu.memory_space<vmem>> -> memref<128x128xf32, #tpu.memory_space<vmem>>
      %dma_start3A_223 = arith.constant 0 : i32
      %dma_start3A_224 = tpu.memref_slice %arg4[%add3A_216, %dma_start3A_223] : memref<819200x128xf32, #tpu.memory_space<hbm>> -> memref<128x128xf32, #tpu.memory_space<hbm>>
      %dma_start3A_225 = tpu.memref_slice %arg9[%dma_start3A_218] : memref<4x!tpu.dma_semaphore, #tpu.memory_space<semaphore_mem>> -> memref<1x!tpu.dma_semaphore, #tpu.memory_space<semaphore_mem>>
      %dma_start3A_226 = tpu.memref_squeeze %dma_start3A_225 : memref<1x!tpu.dma_semaphore, #tpu.memory_space<semaphore_mem>> -> memref<!tpu.dma_semaphore, #tpu.memory_space<semaphore_mem>>
      %dma_start3A_227 = arith.constant 0 : i32
      %dma_start3A_228 = tpu.memref_slice %arg4[%add3A_216, %dma_start3A_227] : memref<819200x128xf32, #tpu.memory_space<hbm>> -> memref<128x128xf32, #tpu.memory_space<hbm>>
      %dma_start3A_229 = arith.constant 0 : i32
      %dma_start3A_230 = arith.constant 0 : i32
      %dma_start3A_231 = tpu.memref_slice %arg6[%dma_start3A_217, %dma_start3A_229, %dma_start3A_230] : memref<4x128x128xf32, #tpu.memory_space<vmem>> -> memref<1x128x128xf32, #tpu.memory_space<vmem>>
      %dma_start3A_232 = tpu.memref_squeeze %dma_start3A_231 : memref<1x128x128xf32, #tpu.memory_space<vmem>> -> memref<128x128xf32, #tpu.memory_space<vmem>>
      tpu.enqueue_dma source(%dma_start3A_232 : memref<128x128xf32, #tpu.memory_space<vmem>>) target(%dma_start3A_228 : memref<128x128xf32, #tpu.memory_space<hbm>>) target_semaphore(%dma_start3A_226 : memref<!tpu.dma_semaphore, #tpu.memory_space<semaphore_mem>>)
      %add3A_233 = arith.constant 0 : i32
      %add3A_234 = arith.addi %mul3A_84, %add3A_233 : i32
      %mul3A_235 = arith.constant 128 : i32
      %mul3A_236 = arith.muli %add3A_234, %mul3A_235 : i32
      %add3A_237 = arith.addi %mul3A_2, %mul3A_236 : i32
      %dma_wait3A_238 = arith.constant 0 : i32
      %dma_wait3A_239 = arith.constant 0 : i32
      %dma_wait3A_240 = arith.constant 0 : i32
      %dma_wait3A_241 = arith.constant 0 : i32
      %dma_wait3A_242 = tpu.memref_slice %arg6[%dma_wait3A_238, %dma_wait3A_240, %dma_wait3A_241] : memref<4x128x128xf32, #tpu.memory_space<vmem>> -> memref<1x128x128xf32, #tpu.memory_space<vmem>>
      %dma_wait3A_243 = tpu.memref_squeeze %dma_wait3A_242 : memref<1x128x128xf32, #tpu.memory_space<vmem>> -> memref<128x128xf32, #tpu.memory_space<vmem>>
      %dma_wait3A_244 = arith.constant 0 : i32
      %dma_wait3A_245 = tpu.memref_slice %arg4[%add3A_237, %dma_wait3A_244] : memref<819200x128xf32, #tpu.memory_space<hbm>> -> memref<128x128xf32, #tpu.memory_space<hbm>>
      %dma_wait3A_246 = tpu.memref_slice %arg9[%dma_wait3A_239] : memref<4x!tpu.dma_semaphore, #tpu.memory_space<semaphore_mem>> -> memref<1x!tpu.dma_semaphore, #tpu.memory_space<semaphore_mem>>
      %dma_wait3A_247 = tpu.memref_squeeze %dma_wait3A_246 : memref<1x!tpu.dma_semaphore, #tpu.memory_space<semaphore_mem>> -> memref<!tpu.dma_semaphore, #tpu.memory_space<semaphore_mem>>
      %dma_wait3A_248 = arith.constant 0 : i32
      %dma_wait3A_249 = tpu.memref_slice %arg4[%add3A_237, %dma_wait3A_248] : memref<819200x128xf32, #tpu.memory_space<hbm>> -> memref<128x128xf32, #tpu.memory_space<hbm>>
      %dma_wait3A_250 = arith.constant 0 : i32
      %dma_wait3A_251 = arith.constant 0 : i32
      %dma_wait3A_252 = tpu.memref_slice %arg6[%dma_wait3A_238, %dma_wait3A_250, %dma_wait3A_251] : memref<4x128x128xf32, #tpu.memory_space<vmem>> -> memref<1x128x128xf32, #tpu.memory_space<vmem>>
      %dma_wait3A_253 = tpu.memref_squeeze %dma_wait3A_252 : memref<1x128x128xf32, #tpu.memory_space<vmem>> -> memref<128x128xf32, #tpu.memory_space<vmem>>
      tpu.wait_dma2 semaphore(%dma_wait3A_247 : memref<!tpu.dma_semaphore, #tpu.memory_space<semaphore_mem>>) src(%dma_wait3A_253 : memref<128x128xf32, #tpu.memory_space<vmem>>) dst(%dma_wait3A_249 : memref<128x128xf32, #tpu.memory_space<hbm>>)
      %add3A_254 = arith.constant 1 : i32
      %add3A_255 = arith.addi %scan3A_82, %add3A_254 : i32
      %lt3A = arith.constant 50 : i32
      %lt3A_256 = arith.cmpi slt, %add3A_255, %lt3A : i32
      %convert_element_type3A = arith.extui %lt3A_256 : i1 to i32
      %cond3A = arith.constant 0 : i32
      %cond3A_257 = arith.cmpi ne, %convert_element_type3A, %cond3A : i32
      scf.if %cond3A_257 {
        %add3A_342 = arith.constant 4 : i32
        %add3A_343 = arith.addi %mul3A_84, %add3A_342 : i32
        %add3A_344 = arith.constant 0 : i32
        %add3A_345 = arith.addi %add3A_343, %add3A_344 : i32
        %dma_start3A_346 = arith.constant 0 : i32
        %dma_start3A_347 = arith.constant 0 : i32
        %dma_start3A_348 = arith.constant 0 : i32
        %dma_start3A_349 = arith.constant 0 : i32
        %dma_start3A_350 = tpu.memref_slice %arg6[%dma_start3A_346, %dma_start3A_348, %dma_start3A_349] : memref<4x128x128xf32, #tpu.memory_space<vmem>> -> memref<1x128x128xf32, #tpu.memory_space<vmem>>
        %dma_start3A_351 = tpu.memref_squeeze %dma_start3A_350 : memref<1x128x128xf32, #tpu.memory_space<vmem>> -> memref<128x128xf32, #tpu.memory_space<vmem>>
        %dma_start3A_352 = arith.constant 0 : i32
        %dma_start3A_353 = tpu.memref_slice %arg5[%add3A_345, %dma_start3A_352] : memref<200x128xi32, #tpu.memory_space<vmem>> -> memref<1x128xi32, #tpu.memory_space<vmem>>
        %dma_start3A_354 = tpu.memref_squeeze %dma_start3A_353 : memref<1x128xi32, #tpu.memory_space<vmem>> -> memref<128xi32, #tpu.memory_space<vmem>>
        %dma_start3A_355 = arith.constant 0 : i32
        %dma_start3A_356 = arith.constant 0 : i32
        %dma_start3A_357 = tpu.memref_slice %arg2[%dma_start3A_355, %dma_start3A_356] : memref<100000x128xf32, #tpu.memory_space<hbm>> -> memref<100000x128xf32, #tpu.memory_space<hbm>>
        %dma_start3A_358 = tpu.memref_slice %arg8[%dma_start3A_347] : memref<4x!tpu.dma_semaphore, #tpu.memory_space<semaphore_mem>> -> memref<1x!tpu.dma_semaphore, #tpu.memory_space<semaphore_mem>>
        %dma_start3A_359 = tpu.memref_squeeze %dma_start3A_358 : memref<1x!tpu.dma_semaphore, #tpu.memory_space<semaphore_mem>> -> memref<!tpu.dma_semaphore, #tpu.memory_space<semaphore_mem>>
        tpu.enqueue_indirect_dma source(%dma_start3A_357 : memref<100000x128xf32, #tpu.memory_space<hbm>>) target(%dma_start3A_351 : memref<128x128xf32, #tpu.memory_space<vmem>>) offsets(%dma_start3A_354 : memref<128xi32, #tpu.memory_space<vmem>>) semaphore(%dma_start3A_359 : memref<!tpu.dma_semaphore, #tpu.memory_space<semaphore_mem>>)
      } else {
      }
      %add3A_258 = arith.constant 1 : i32
      %add3A_259 = arith.addi %mul3A_84, %add3A_258 : i32
      %mul3A_260 = arith.constant 128 : i32
      %mul3A_261 = arith.muli %add3A_259, %mul3A_260 : i32
      %add3A_262 = arith.addi %mul3A_2, %mul3A_261 : i32
      %dma_wait3A_263 = arith.constant 1 : i32
      %dma_wait3A_264 = arith.constant 1 : i32
      %dma_wait3A_265 = arith.constant 0 : i32
      %dma_wait3A_266 = arith.constant 0 : i32
      %dma_wait3A_267 = tpu.memref_slice %arg6[%dma_wait3A_263, %dma_wait3A_265, %dma_wait3A_266] : memref<4x128x128xf32, #tpu.memory_space<vmem>> -> memref<1x128x128xf32, #tpu.memory_space<vmem>>
      %dma_wait3A_268 = tpu.memref_squeeze %dma_wait3A_267 : memref<1x128x128xf32, #tpu.memory_space<vmem>> -> memref<128x128xf32, #tpu.memory_space<vmem>>
      %dma_wait3A_269 = arith.constant 0 : i32
      %dma_wait3A_270 = tpu.memref_slice %arg4[%add3A_262, %dma_wait3A_269] : memref<819200x128xf32, #tpu.memory_space<hbm>> -> memref<128x128xf32, #tpu.memory_space<hbm>>
      %dma_wait3A_271 = tpu.memref_slice %arg9[%dma_wait3A_264] : memref<4x!tpu.dma_semaphore, #tpu.memory_space<semaphore_mem>> -> memref<1x!tpu.dma_semaphore, #tpu.memory_space<semaphore_mem>>
      %dma_wait3A_272 = tpu.memref_squeeze %dma_wait3A_271 : memref<1x!tpu.dma_semaphore, #tpu.memory_space<semaphore_mem>> -> memref<!tpu.dma_semaphore, #tpu.memory_space<semaphore_mem>>
      %dma_wait3A_273 = arith.constant 0 : i32
      %dma_wait3A_274 = tpu.memref_slice %arg4[%add3A_262, %dma_wait3A_273] : memref<819200x128xf32, #tpu.memory_space<hbm>> -> memref<128x128xf32, #tpu.memory_space<hbm>>
      %dma_wait3A_275 = arith.constant 0 : i32
      %dma_wait3A_276 = arith.constant 0 : i32
      %dma_wait3A_277 = tpu.memref_slice %arg6[%dma_wait3A_263, %dma_wait3A_275, %dma_wait3A_276] : memref<4x128x128xf32, #tpu.memory_space<vmem>> -> memref<1x128x128xf32, #tpu.memory_space<vmem>>
      %dma_wait3A_278 = tpu.memref_squeeze %dma_wait3A_277 : memref<1x128x128xf32, #tpu.memory_space<vmem>> -> memref<128x128xf32, #tpu.memory_space<vmem>>
      tpu.wait_dma2 semaphore(%dma_wait3A_272 : memref<!tpu.dma_semaphore, #tpu.memory_space<semaphore_mem>>) src(%dma_wait3A_278 : memref<128x128xf32, #tpu.memory_space<vmem>>) dst(%dma_wait3A_274 : memref<128x128xf32, #tpu.memory_space<hbm>>)
      %add3A_279 = arith.constant 1 : i32
      %add3A_280 = arith.addi %scan3A_82, %add3A_279 : i32
      %lt3A_281 = arith.constant 50 : i32
      %lt3A_282 = arith.cmpi slt, %add3A_280, %lt3A_281 : i32
      %convert_element_type3A_283 = arith.extui %lt3A_282 : i1 to i32
      %cond3A_284 = arith.constant 0 : i32
      %cond3A_285 = arith.cmpi ne, %convert_element_type3A_283, %cond3A_284 : i32
      scf.if %cond3A_285 {
        %add3A_342 = arith.constant 4 : i32
        %add3A_343 = arith.addi %mul3A_84, %add3A_342 : i32
        %add3A_344 = arith.constant 1 : i32
        %add3A_345 = arith.addi %add3A_343, %add3A_344 : i32
        %dma_start3A_346 = arith.constant 1 : i32
        %dma_start3A_347 = arith.constant 1 : i32
        %dma_start3A_348 = arith.constant 0 : i32
        %dma_start3A_349 = arith.constant 0 : i32
        %dma_start3A_350 = tpu.memref_slice %arg6[%dma_start3A_346, %dma_start3A_348, %dma_start3A_349] : memref<4x128x128xf32, #tpu.memory_space<vmem>> -> memref<1x128x128xf32, #tpu.memory_space<vmem>>
        %dma_start3A_351 = tpu.memref_squeeze %dma_start3A_350 : memref<1x128x128xf32, #tpu.memory_space<vmem>> -> memref<128x128xf32, #tpu.memory_space<vmem>>
        %dma_start3A_352 = arith.constant 0 : i32
        %dma_start3A_353 = tpu.memref_slice %arg5[%add3A_345, %dma_start3A_352] : memref<200x128xi32, #tpu.memory_space<vmem>> -> memref<1x128xi32, #tpu.memory_space<vmem>>
        %dma_start3A_354 = tpu.memref_squeeze %dma_start3A_353 : memref<1x128xi32, #tpu.memory_space<vmem>> -> memref<128xi32, #tpu.memory_space<vmem>>
        %dma_start3A_355 = arith.constant 0 : i32
        %dma_start3A_356 = arith.constant 0 : i32
        %dma_start3A_357 = tpu.memref_slice %arg2[%dma_start3A_355, %dma_start3A_356] : memref<100000x128xf32, #tpu.memory_space<hbm>> -> memref<100000x128xf32, #tpu.memory_space<hbm>>
        %dma_start3A_358 = tpu.memref_slice %arg8[%dma_start3A_347] : memref<4x!tpu.dma_semaphore, #tpu.memory_space<semaphore_mem>> -> memref<1x!tpu.dma_semaphore, #tpu.memory_space<semaphore_mem>>
        %dma_start3A_359 = tpu.memref_squeeze %dma_start3A_358 : memref<1x!tpu.dma_semaphore, #tpu.memory_space<semaphore_mem>> -> memref<!tpu.dma_semaphore, #tpu.memory_space<semaphore_mem>>
        tpu.enqueue_indirect_dma source(%dma_start3A_357 : memref<100000x128xf32, #tpu.memory_space<hbm>>) target(%dma_start3A_351 : memref<128x128xf32, #tpu.memory_space<vmem>>) offsets(%dma_start3A_354 : memref<128xi32, #tpu.memory_space<vmem>>) semaphore(%dma_start3A_359 : memref<!tpu.dma_semaphore, #tpu.memory_space<semaphore_mem>>)
      } else {
      }
      %add3A_286 = arith.constant 2 : i32
      %add3A_287 = arith.addi %mul3A_84, %add3A_286 : i32
      %mul3A_288 = arith.constant 128 : i32
      %mul3A_289 = arith.muli %add3A_287, %mul3A_288 : i32
      %add3A_290 = arith.addi %mul3A_2, %mul3A_289 : i32
      %dma_wait3A_291 = arith.constant 2 : i32
      %dma_wait3A_292 = arith.constant 2 : i32
      %dma_wait3A_293 = arith.constant 0 : i32
      %dma_wait3A_294 = arith.constant 0 : i32
      %dma_wait3A_295 = tpu.memref_slice %arg6[%dma_wait3A_291, %dma_wait3A_293, %dma_wait3A_294] : memref<4x128x128xf32, #tpu.memory_space<vmem>> -> memref<1x128x128xf32, #tpu.memory_space<vmem>>
      %dma_wait3A_296 = tpu.memref_squeeze %dma_wait3A_295 : memref<1x128x128xf32, #tpu.memory_space<vmem>> -> memref<128x128xf32, #tpu.memory_space<vmem>>
      %dma_wait3A_297 = arith.constant 0 : i32
      %dma_wait3A_298 = tpu.memref_slice %arg4[%add3A_290, %dma_wait3A_297] : memref<819200x128xf32, #tpu.memory_space<hbm>> -> memref<128x128xf32, #tpu.memory_space<hbm>>
      %dma_wait3A_299 = tpu.memref_slice %arg9[%dma_wait3A_292] : memref<4x!tpu.dma_semaphore, #tpu.memory_space<semaphore_mem>> -> memref<1x!tpu.dma_semaphore, #tpu.memory_space<semaphore_mem>>
      %dma_wait3A_300 = tpu.memref_squeeze %dma_wait3A_299 : memref<1x!tpu.dma_semaphore, #tpu.memory_space<semaphore_mem>> -> memref<!tpu.dma_semaphore, #tpu.memory_space<semaphore_mem>>
      %dma_wait3A_301 = arith.constant 0 : i32
      %dma_wait3A_302 = tpu.memref_slice %arg4[%add3A_290, %dma_wait3A_301] : memref<819200x128xf32, #tpu.memory_space<hbm>> -> memref<128x128xf32, #tpu.memory_space<hbm>>
      %dma_wait3A_303 = arith.constant 0 : i32
      %dma_wait3A_304 = arith.constant 0 : i32
      %dma_wait3A_305 = tpu.memref_slice %arg6[%dma_wait3A_291, %dma_wait3A_303, %dma_wait3A_304] : memref<4x128x128xf32, #tpu.memory_space<vmem>> -> memref<1x128x128xf32, #tpu.memory_space<vmem>>
      %dma_wait3A_306 = tpu.memref_squeeze %dma_wait3A_305 : memref<1x128x128xf32, #tpu.memory_space<vmem>> -> memref<128x128xf32, #tpu.memory_space<vmem>>
      tpu.wait_dma2 semaphore(%dma_wait3A_300 : memref<!tpu.dma_semaphore, #tpu.memory_space<semaphore_mem>>) src(%dma_wait3A_306 : memref<128x128xf32, #tpu.memory_space<vmem>>) dst(%dma_wait3A_302 : memref<128x128xf32, #tpu.memory_space<hbm>>)
      %add3A_307 = arith.constant 1 : i32
      %add3A_308 = arith.addi %scan3A_82, %add3A_307 : i32
      %lt3A_309 = arith.constant 50 : i32
      %lt3A_310 = arith.cmpi slt, %add3A_308, %lt3A_309 : i32
      %convert_element_type3A_311 = arith.extui %lt3A_310 : i1 to i32
      %cond3A_312 = arith.constant 0 : i32
      %cond3A_313 = arith.cmpi ne, %convert_element_type3A_311, %cond3A_312 : i32
      scf.if %cond3A_313 {
        %add3A_342 = arith.constant 4 : i32
        %add3A_343 = arith.addi %mul3A_84, %add3A_342 : i32
        %add3A_344 = arith.constant 2 : i32
        %add3A_345 = arith.addi %add3A_343, %add3A_344 : i32
        %dma_start3A_346 = arith.constant 2 : i32
        %dma_start3A_347 = arith.constant 2 : i32
        %dma_start3A_348 = arith.constant 0 : i32
        %dma_start3A_349 = arith.constant 0 : i32
        %dma_start3A_350 = tpu.memref_slice %arg6[%dma_start3A_346, %dma_start3A_348, %dma_start3A_349] : memref<4x128x128xf32, #tpu.memory_space<vmem>> -> memref<1x128x128xf32, #tpu.memory_space<vmem>>
        %dma_start3A_351 = tpu.memref_squeeze %dma_start3A_350 : memref<1x128x128xf32, #tpu.memory_space<vmem>> -> memref<128x128xf32, #tpu.memory_space<vmem>>
        %dma_start3A_352 = arith.constant 0 : i32
        %dma_start3A_353 = tpu.memref_slice %arg5[%add3A_345, %dma_start3A_352] : memref<200x128xi32, #tpu.memory_space<vmem>> -> memref<1x128xi32, #tpu.memory_space<vmem>>
        %dma_start3A_354 = tpu.memref_squeeze %dma_start3A_353 : memref<1x128xi32, #tpu.memory_space<vmem>> -> memref<128xi32, #tpu.memory_space<vmem>>
        %dma_start3A_355 = arith.constant 0 : i32
        %dma_start3A_356 = arith.constant 0 : i32
        %dma_start3A_357 = tpu.memref_slice %arg2[%dma_start3A_355, %dma_start3A_356] : memref<100000x128xf32, #tpu.memory_space<hbm>> -> memref<100000x128xf32, #tpu.memory_space<hbm>>
        %dma_start3A_358 = tpu.memref_slice %arg8[%dma_start3A_347] : memref<4x!tpu.dma_semaphore, #tpu.memory_space<semaphore_mem>> -> memref<1x!tpu.dma_semaphore, #tpu.memory_space<semaphore_mem>>
        %dma_start3A_359 = tpu.memref_squeeze %dma_start3A_358 : memref<1x!tpu.dma_semaphore, #tpu.memory_space<semaphore_mem>> -> memref<!tpu.dma_semaphore, #tpu.memory_space<semaphore_mem>>
        tpu.enqueue_indirect_dma source(%dma_start3A_357 : memref<100000x128xf32, #tpu.memory_space<hbm>>) target(%dma_start3A_351 : memref<128x128xf32, #tpu.memory_space<vmem>>) offsets(%dma_start3A_354 : memref<128xi32, #tpu.memory_space<vmem>>) semaphore(%dma_start3A_359 : memref<!tpu.dma_semaphore, #tpu.memory_space<semaphore_mem>>)
      } else {
      }
      %add3A_314 = arith.constant 3 : i32
      %add3A_315 = arith.addi %mul3A_84, %add3A_314 : i32
      %mul3A_316 = arith.constant 128 : i32
      %mul3A_317 = arith.muli %add3A_315, %mul3A_316 : i32
      %add3A_318 = arith.addi %mul3A_2, %mul3A_317 : i32
      %dma_wait3A_319 = arith.constant 3 : i32
      %dma_wait3A_320 = arith.constant 3 : i32
      %dma_wait3A_321 = arith.constant 0 : i32
      %dma_wait3A_322 = arith.constant 0 : i32
      %dma_wait3A_323 = tpu.memref_slice %arg6[%dma_wait3A_319, %dma_wait3A_321, %dma_wait3A_322] : memref<4x128x128xf32, #tpu.memory_space<vmem>> -> memref<1x128x128xf32, #tpu.memory_space<vmem>>
      %dma_wait3A_324 = tpu.memref_squeeze %dma_wait3A_323 : memref<1x128x128xf32, #tpu.memory_space<vmem>> -> memref<128x128xf32, #tpu.memory_space<vmem>>
      %dma_wait3A_325 = arith.constant 0 : i32
      %dma_wait3A_326 = tpu.memref_slice %arg4[%add3A_318, %dma_wait3A_325] : memref<819200x128xf32, #tpu.memory_space<hbm>> -> memref<128x128xf32, #tpu.memory_space<hbm>>
      %dma_wait3A_327 = tpu.memref_slice %arg9[%dma_wait3A_320] : memref<4x!tpu.dma_semaphore, #tpu.memory_space<semaphore_mem>> -> memref<1x!tpu.dma_semaphore, #tpu.memory_space<semaphore_mem>>
      %dma_wait3A_328 = tpu.memref_squeeze %dma_wait3A_327 : memref<1x!tpu.dma_semaphore, #tpu.memory_space<semaphore_mem>> -> memref<!tpu.dma_semaphore, #tpu.memory_space<semaphore_mem>>
      %dma_wait3A_329 = arith.constant 0 : i32
      %dma_wait3A_330 = tpu.memref_slice %arg4[%add3A_318, %dma_wait3A_329] : memref<819200x128xf32, #tpu.memory_space<hbm>> -> memref<128x128xf32, #tpu.memory_space<hbm>>
      %dma_wait3A_331 = arith.constant 0 : i32
      %dma_wait3A_332 = arith.constant 0 : i32
      %dma_wait3A_333 = tpu.memref_slice %arg6[%dma_wait3A_319, %dma_wait3A_331, %dma_wait3A_332] : memref<4x128x128xf32, #tpu.memory_space<vmem>> -> memref<1x128x128xf32, #tpu.memory_space<vmem>>
      %dma_wait3A_334 = tpu.memref_squeeze %dma_wait3A_333 : memref<1x128x128xf32, #tpu.memory_space<vmem>> -> memref<128x128xf32, #tpu.memory_space<vmem>>
      tpu.wait_dma2 semaphore(%dma_wait3A_328 : memref<!tpu.dma_semaphore, #tpu.memory_space<semaphore_mem>>) src(%dma_wait3A_334 : memref<128x128xf32, #tpu.memory_space<vmem>>) dst(%dma_wait3A_330 : memref<128x128xf32, #tpu.memory_space<hbm>>)
      %add3A_335 = arith.constant 1 : i32
      %add3A_336 = arith.addi %scan3A_82, %add3A_335 : i32
      %lt3A_337 = arith.constant 50 : i32
      %lt3A_338 = arith.cmpi slt, %add3A_336, %lt3A_337 : i32
      %convert_element_type3A_339 = arith.extui %lt3A_338 : i1 to i32
      %cond3A_340 = arith.constant 0 : i32
      %cond3A_341 = arith.cmpi ne, %convert_element_type3A_339, %cond3A_340 : i32
      scf.if %cond3A_341 {
        %add3A_342 = arith.constant 4 : i32
        %add3A_343 = arith.addi %mul3A_84, %add3A_342 : i32
        %add3A_344 = arith.constant 3 : i32
        %add3A_345 = arith.addi %add3A_343, %add3A_344 : i32
        %dma_start3A_346 = arith.constant 3 : i32
        %dma_start3A_347 = arith.constant 3 : i32
        %dma_start3A_348 = arith.constant 0 : i32
        %dma_start3A_349 = arith.constant 0 : i32
        %dma_start3A_350 = tpu.memref_slice %arg6[%dma_start3A_346, %dma_start3A_348, %dma_start3A_349] : memref<4x128x128xf32, #tpu.memory_space<vmem>> -> memref<1x128x128xf32, #tpu.memory_space<vmem>>
        %dma_start3A_351 = tpu.memref_squeeze %dma_start3A_350 : memref<1x128x128xf32, #tpu.memory_space<vmem>> -> memref<128x128xf32, #tpu.memory_space<vmem>>
        %dma_start3A_352 = arith.constant 0 : i32
        %dma_start3A_353 = tpu.memref_slice %arg5[%add3A_345, %dma_start3A_352] : memref<200x128xi32, #tpu.memory_space<vmem>> -> memref<1x128xi32, #tpu.memory_space<vmem>>
        %dma_start3A_354 = tpu.memref_squeeze %dma_start3A_353 : memref<1x128xi32, #tpu.memory_space<vmem>> -> memref<128xi32, #tpu.memory_space<vmem>>
        %dma_start3A_355 = arith.constant 0 : i32
        %dma_start3A_356 = arith.constant 0 : i32
        %dma_start3A_357 = tpu.memref_slice %arg2[%dma_start3A_355, %dma_start3A_356] : memref<100000x128xf32, #tpu.memory_space<hbm>> -> memref<100000x128xf32, #tpu.memory_space<hbm>>
        %dma_start3A_358 = tpu.memref_slice %arg8[%dma_start3A_347] : memref<4x!tpu.dma_semaphore, #tpu.memory_space<semaphore_mem>> -> memref<1x!tpu.dma_semaphore, #tpu.memory_space<semaphore_mem>>
        %dma_start3A_359 = tpu.memref_squeeze %dma_start3A_358 : memref<1x!tpu.dma_semaphore, #tpu.memory_space<semaphore_mem>> -> memref<!tpu.dma_semaphore, #tpu.memory_space<semaphore_mem>>
        tpu.enqueue_indirect_dma source(%dma_start3A_357 : memref<100000x128xf32, #tpu.memory_space<hbm>>) target(%dma_start3A_351 : memref<128x128xf32, #tpu.memory_space<vmem>>) offsets(%dma_start3A_354 : memref<128xi32, #tpu.memory_space<vmem>>) semaphore(%dma_start3A_359 : memref<!tpu.dma_semaphore, #tpu.memory_space<semaphore_mem>>)
      } else {
      }
    }
    %scan3A_81 = arith.constant 50 : i32
    return
  }
}

</mosaic_0001>

<sc_bundles>
// kernel: kernel.3.cloned.1.call-start
scs
__scs_entry_jumppad:
0x0: {  	(pc) =	sbr.rel $0x88, $3  }
0x1: {  	(tag) =	ssettag $0x0;
	lr =	simm.s32 $0x1  }
0x2: {  	[smem:$0x3F9F] =	sst lr;
	_ =	strace $0xD0000000  }
0x3: {  	_ = 	snop  }
0x4: {  	_ = 	snop  }
0x5: {  	_ = 	snop  }
0x6: {  	_ = 	snop  }
0x7: {  	_ = 	snop  }
__scs_overlays_trampoline_lowered:
0x8: {  	[smem:$0x3FAE] =	sst s0  }
0x9: {  	[smem:$0x3FAF] =	sst s1  }
0xa: {  	[smem:$0x3FB0] =	sst s2  }
0xb: {  	[smem:$0x3FB1] =	sst s3  }
0xc: {  	[smem:$0x3FB2] =	sst s4  }
0xd: {  	[smem:$0x3FB3] =	sst s5  }
0xe: {  	[smem:$0x3FB4] =	sst s6  }
0xf: {  	[smem:$0x3FB5] =	sst s7  }
0x10: {  	[smem:$0x3FB6] =	sst s8  }
0x11: {  	[smem:$0x3FB7] =	sst s9;
	s0 =	simm.s32 @!p0 $0x0  }
0x12: {  	s1 =	sld [smem:$0x3F9D];
	s0 =	simm.s32 @p0 $0x1  }
0x13: {  	[smem:$0x3FB8] =	sst s0;
	s0 =	simm.s32 @!p1 $0x0  }
0x14: {  	s2 =	sld [smem:$0x3F9C];
	s0 =	simm.s32 @p1 $0x1  }
0x15: {  	[smem:$0x3FB9] =	sst s0;
	s0 =	simm.s32 @!p2 $0x0  }
0x16: {  	s3 =	sld [smem:$0x3FDB];
	s0 =	simm.s32 @p2 $0x1  }
0x17: {  	s4 =	simm.s32 $0x1BF5;
	[smem:$0x3FBB] =	sst s0  }
0x18: {  	s0 =	sld [smem:$0x3F9E];
	_ =	swait.ge [sflag:s4], $0x0  }
0x19: {  	s7 =	sld [smem:$0x3F9F]  }
0x1a: {  	s8 =	sadd.s32 $0xFFFFE003, lr  }
0x1b: {  	s9 =	sadd.s32 $0xFFFFFEF7, lr;
	s5 =	simm.s32 $0xFFFFFFFF;
	p2 =	slt.u32 s8, $0xFFFFF086  }
0x1c: {  	p1 =	slt.u32 s9, $0xF7A;
	s5 =	simm.s32 @!p2 $0x0  }
0x1d: {  	s5 =	simm.s32 @p1 $0x1;
	p0 =	seq.s32 s7, s2  }
0x1e: {  	s7 =	smul.u32 @!p0 $0xF7A, s2;
	p2 =	seq.s32 @!p0 s5, $0x0  }
0x1f: {  	s9 =	smul.u32 $0xF7A, s1;
	s8 =	simm.s32 @!p0 $0x1BF5;
	p2 =	por !p2, p0  }
0x20: {  	[sflag:s8] =	ssyncset.s32 @!p0 $0xFFFFF086;
	s6 =	sadd.s32 @!p0 s3, s7;
	s7 =	simm.s32 @!p0 $0x108  }
0x21: {  	s3 =	sadd.s32 s3, s9;
	s6 =	sadd.s32 @!p0 $0x88, s6;
	s7 =	simm.s32 @p2 $0x1082  }
0x22: {  	[simem:s7], [sflag:s8] =	dma.local @!p0 [hbm:s6], $0xF7A  }
0x23: {  	s9 =	sor.u32 $0xD0000000, s2;
	s6 =	simm.s32 $0x108;
	_ =	swait.ge @!p0 [sflag:s8], $0x0  }
0x24: {  	s3 =	sadd.s32 $0x88, s3;
	s6 =	simm.s32 @!p1 $0x1082;
	[sflag:s4] =	ssyncset.s32 $0xFFFFF086  }
0x25: {  	[simem:s6], [sflag:s4] =	dma.local [hbm:s3], $0xF7A  }
0x26: {  	[smem:$0x3F9F] =	sst s1;
	(tag) =	ssettag s2;
	_ =	strace s9  }
0x27: {  	s1 =	sld [smem:$0x3FAF]  }
0x28: {  	s2 =	sld [smem:$0x3FB0]  }
0x29: {  	s4 =	sld [smem:$0x3FB2]  }
0x2a: {  	p0 =	seq.s32 s5, $0x0;
	s5 =	sld [smem:$0x3FB3]  }
0x2b: {  	s6 =	sld [smem:$0x3FB4]  }
0x2c: {  	s7 =	sld [smem:$0x3FB5]  }
0x2d: {  	s3 =	simm.s32 $0x108;
	s8 =	sld [smem:$0x3FB6]  }
0x2e: {  	s3 =	simm.s32 @!p0 $0x1082;
	s9 =	sld [smem:$0x3FB7]  }
0x2f: {  	lr =	sadd.s32 s0, s3;
	s0 =	sld [smem:$0x3FAE]  }
0x30: {  	s3 =	sld [smem:$0x3FB1]  }
0x31: {  	[smem:$0x3FBA] =	sst s10  }
0x32: {  	s10 =	sld [smem:$0x3FB8];
	_ =	sdelay $0x3  }
0x33: {  	p0 =	seq.s32 s10, $0x1;
	s10 =	sld [smem:$0x3FBA];
	_ =	sdelay $0x3  }
0x34: {  	[smem:$0x3FBA] =	sst s10  }
0x35: {  	s10 =	sld [smem:$0x3FB9];
	_ =	sdelay $0x3  }
0x36: {  	p1 =	seq.s32 s10, $0x1;
	s10 =	sld [smem:$0x3FBA];
	_ =	sdelay $0x3  }
0x37: {  	[smem:$0x3FBA] =	sst s10  }
0x38: {  	s10 =	sld [smem:$0x3FBB]  }
0x39: {  	_ = 	snop;
	(pc) =	sbr.ind lr, $3  }
0x3a: {  	_ = 	snop  }
0x3b: {  	_ = 	snop  }
0x3c: {  	p2 =	seq.s32 s10, $0x1;
	s10 =	sld [smem:$0x3FBA]  }
0x3d: {  	_ =	shalt  }
0x3e: {  	_ =	shalt  }
0x3f: {  	_ =	shalt  }
0x40: {  	_ =	shalt  }
0x41: {  	_ =	shalt  }
0x42: {  	_ =	shalt  }
0x43: {  	_ =	shalt  }
0x44: {  	_ =	shalt  }
0x45: {  	_ =	shalt  }
0x46: {  	_ =	shalt  }
0x47: {  	_ =	shalt  }
0x48: {  	_ =	shalt  }
0x49: {  	_ =	shalt  }
0x4a: {  	_ =	shalt  }
0x4b: {  	_ =	shalt  }
0x4c: {  	_ =	shalt  }
0x4d: {  	_ =	shalt  }
0x4e: {  	_ =	shalt  }
0x4f: {  	_ =	shalt  }
0x50: {  	_ =	shalt  }
0x51: {  	_ =	shalt  }
0x52: {  	_ =	shalt  }
0x53: {  	_ =	shalt  }
0x54: {  	_ =	shalt  }
0x55: {  	_ =	shalt  }
0x56: {  	_ =	shalt  }
0x57: {  	_ =	shalt  }
0x58: {  	_ =	shalt  }
0x59: {  	_ =	shalt  }
0x5a: {  	_ =	shalt  }
0x5b: {  	_ =	shalt  }
0x5c: {  	_ =	shalt  }
0x5d: {  	_ =	shalt  }
0x5e: {  	_ =	shalt  }
0x5f: {  	_ =	shalt  }
0x60: {  	_ =	shalt  }
0x61: {  	_ =	shalt  }
0x62: {  	_ =	shalt  }
0x63: {  	_ =	shalt  }
0x64: {  	_ =	shalt  }
0x65: {  	_ =	shalt  }
0x66: {  	_ =	shalt  }
0x67: {  	_ =	shalt  }
0x68: {  	_ =	shalt  }
0x69: {  	_ =	shalt  }
0x6a: {  	_ =	shalt  }
0x6b: {  	_ =	shalt  }
0x6c: {  	_ =	shalt  }
0x6d: {  	_ =	shalt  }
0x6e: {  	_ =	shalt  }
0x6f: {  	_ =	shalt  }
0x70: {  	_ =	shalt  }
0x71: {  	_ =	shalt  }
0x72: {  	_ =	shalt  }
0x73: {  	_ =	shalt  }
0x74: {  	_ =	shalt  }
0x75: {  	_ =	shalt  }
0x76: {  	_ =	shalt  }
0x77: {  	_ =	shalt  }
0x78: {  	_ =	shalt  }
0x79: {  	_ =	shalt  }
0x7a: {  	_ =	shalt  }
0x7b: {  	_ =	shalt  }
0x7c: {  	_ =	shalt  }
0x7d: {  	_ =	shalt  }
0x7e: {  	_ =	shalt  }
0x7f: {  	_ =	shalt  }
0x80: {  	_ =	shalt  }
0x81: {  	_ =	shalt  }
0x82: {  	_ =	shalt  }
0x83: {  	_ =	shalt  }
0x84: {  	_ =	shalt  }
0x85: {  	_ =	shalt  }
0x86: {  	_ =	shalt  }
0x87: {  	_ =	shalt  }
.Lfunc_end0:
.L_simem_size_0:
called_computation_lowered:
.L_overlay_start_0:
0x88: {  	s2 =	sld [smem:$0x3FD9]  }
0x89: {  	s3 =	sld [smem:$0x3FFE];
	_ =	sdelay $0x1  }
0x8a: {  	s1 =	srdreg.scid  }
0x8b: {  	s0 =	sand.u32 $0x1, s1  }
0x8c: {  	s17 =	sshll.u32 s0, $0xA;
	s2 =	sadd.s32 s3, s2  }
0x8d: {  	s2 =	sadd.s32 s2, s17  }
0x8e: {  	[smem:$0x3FC6] =	sst s2  }
0x8f: {  	_ = 	snop  }
0x90: {  	s2 =	sld [smem:$0x3FC8]  }
0x91: {  	s18 =	sld [smem:$0x3FD0];
	(tm) =	ssettm $0x1  }
0x92: {  	s4 =	sld [smem:$0x3FFB];
	_ =	sdelay $0x3  }
0x93: {  	_ =	strace s4  }
0x94: {  	s4 =	sld [smem:$0x3FFC];
	_ =	sdelay $0x3  }
0x95: {  	_ =	strace s4  }
0x96: {  	s4 =	sld [smem:$0x3FFD];
	_ =	sdelay $0x3  }
0x97: {  	_ =	strace s4  }
0x98: {  	_ =	strace $0x8FFFFFFF  }
0x99: {  	s19 =	sld [smem:$0x3FDB];
	_ =	sdelay $0x1  }
0x9a: {  	s5 =	simm.s32 $_scs_section_size  }
0x9b: {  	s6 =	simm.s32 $_size__tile_overlayer_lowered;
	s7 =	simm.s32 $_tile_overlayer_lowered  }
0x9c: {  	s22 =	simm.s32 $0x1BFF;
	s21 =	sshll.u32 s7, $0x1;
	s4 =	sadd.s32 s5, s19  }
0x9d: {  	s8 =	simm.s32 $0x0;
	s20 =	sshll.u32 s6, $0x1;
	s6 =	sadd.s32 s21, s4  }
0x9e: {  	[timem:s8], [sflag:s22] =	dma.local [hbm:s6], s20  }
0x9f: {  	_ =	swait.ge [sflag:s22], s20  }
0xa0: {  	s5 =	ssub.s32 $0x0, s20;
	[sflag:s22] =	ssyncset.done $0x0  }
0xa1: {  	[sflag:s22] =	ssyncadd.s32 s5;
	_ =	sdelay $0x1  }
0xa2: {  	s23 =	simm.s32 $0x1B8B  }
0xa3: {  	_ =	swait.ge [sflag:s23], $0x1  }
0xa4: {  	[sflag:s23] =	ssyncset.done $0x0  }
0xa5: {  	s25 =	simm.s32 $0x1B8E;
	s24 =	sld [smem:$0x3FFE];
	[sflag:s23] =	ssyncadd.s32 $0xFFFFFFFF  }
0xa6: {  	s26 =	simm.s32 $execute0_lowered;
	[smem:$0x3FD2] =	sst s25  }
0xa7: {  	s6 =	sshll.u32 s26, $0x1;
	_ =	strace $0x80000046;
	[dreg:$0x1] =	wrdreg $0xFFFFFFFF  }
0xa8: {  	s28 =	simm.s32 $_size_execute0_lowered;
	s4 =	sadd.s32 s4, s6;
	[dreg:$0x0] =	wrdreg $0x0  }
0xa9: {  	s6 =	sshll.u32 s28, $0x1;
	[dreg:$0x2] =	wrdreg s4  }
0xaa: {  	[dreg:$0x3] =	wrdreg s6  }
0xab: {  	[dreg:$0x4] =	wrdreg $0xC0  }
0xac: {  	_ =	task [dreg:s8], $0x5FFFF  }
0xad: {  	[dreg:$0x1] =	wrdreg $0xFFFFFFFF  }
0xae: {  	[dreg:$0x0] =	wrdreg $0x60  }
0xaf: {  	[dreg:$0x2] =	wrdreg s2  }
0xb0: {  	[dreg:$0x3] =	wrdreg s24  }
0xb1: {  	[dreg:$0x4] =	wrdreg s18  }
0xb2: {  	[dreg:$0x5] =	wrdreg $0x9  }
0xb3: {  	_ =	task.clear_ibuf [dreg:s8], $0x6FFFF;
	_ =	strace $0x90000046  }
0xb4: {  	s29 =	simm.s32 $0x9;
	_ =	strace $0x80000048  }
0xb5: {  	_ =	swait.ge [sflag:s29], $0x1  }
0xb6: {  	[sflag:s29] =	ssyncadd.s32 $0xFFFFFFFF  }
0xb7: {  	_ =	strace $0x90000048  }
0xb8: {  	_ =	sfence  }
0xb9: {  	s30 =	sld [smem:$0x0];
	_ =	sdelay $0x2  }
0xba: {  	s31 =	sshll.u32 s1, $0xD;
	s1 =	sshrl.u32 s1, $0x2  }
0xbb: {  	s3 =	sand.u32 $0x4000, s31;
	s1 =	sadd.s32 s1, s30  }
0xbc: {  	s0 =	sor.u32 s3, s0;
	s1 =	sshll.u32 s1, $0x11  }
0xbd: {  	s0 =	sor.u32 s1, s0  }
0xbe: {  	s0 =	sadd.s32 $0x8F2B, s0  }
0xbf: {  	[sflag:s0] =	ssyncadd.remote.s32 $0x1  }
0xc0: {  	_ =	sfence.sel $0xFFFF  }
0xc1: {  	[dreg:$0x0] =	wrdreg $0xFFFFFFFF;
	(pc) =	sbr.abs _section_cstart, $3  }
0xc2: {  	[dreg:$0x1] =	wrdreg $0xFFFFFFFF  }
0xc3: {  	_ =	task.clear_ibuf [dreg:s8], $0x2FFFF;
	_ =	strace $0x9FFFFFFF  }
0xc4: {  	(tm) =	ssettm $0x7FFFFFFF  }
0xc5: {  	_ =	shalt  }
tec
execute0_lowered:
.L_overlay_start_1:
0x0: {  	(tag) =	ssettag $0x1  }
0x1: {  	s1 =	rddreg [dreg:$0x0]  }
0x2: {  	s4 =	rddreg [dreg:$0x1];
	s2 =	srdreg.scid  }
0x3: {  	s0 =	stileid.u32;
	s6 =	rddreg [dreg:$0x2];
	s3 =	simm.s32 $0x0  }
0x4: {  	s12 =	simm.s32 $0x100;
	s13 =	simm.s32 $0xE400;
	s14 =	simm.s32 $0x180  }
0x5: {  	s15 =	simm.s32 $0x12400;
	s16 =	simm.s32 $0x2;
	s17 =	simm.s32 $0x3  }
0x6: {  	s18 =	simm.s32 $0x4;
	s19 =	simm.s32 $0x5;
	s20 =	simm.s32 $0x6  }
0x7: {  	s21 =	simm.s32 $0x7;
	s22 =	simm.s32 $0x8;
	s23 =	simm.s32 $0x9  }
0x8: {  	s24 =	simm.s32 $0x0;
	s5 =	sand.u32 $0x1, s2;
	s8 =	smul.u32 $0x640000, s0  }
0x9: {  	s7 =	sshll.u32 s0, $0x1;
	s2 =	rddreg [dreg:$0x3];
	s11 =	smul.u32 $0xC8000, s0  }
0xa: {  	[smem:$0x7FF] =	sst s3;
	s7 =	sor.u32 s5, s7;
	s10 =	smul.u32 $0x320000, s5  }
0xb: {  	_ =	strace $0x80000047;
	s9 =	ssub.s32 $0x2, s5;
	s29 =	smul.u32 $0x64000, s5  }
0xc: {  	s7 =	smul.u32 $0x6400, s7;
	s28 =	sshrl.u32 s9, $0x1;
	s30 =	sadd.s32 s11, s6  }
.Ltmp0:
0xd: {  	s11 =	simm.s32 $0xA400;
	s8 =	sadd.s32 s10, s8;
	(pc) =	sbr.rel .LBB2_1-.Ltmp0, $4  }
0xe: {  	s31 =	sadd.s32 s29, s30;
	s10 =	simm.s32 $0x6400;
	s7 =	sshrl.u32 s7, $0x3  }
0xf: {  	s8 =	sshrl.u32 s8, $0x3;
	s4 =	sadd.s32 s7, s4;
	s7 =	ssub.s32 s9, s28  }
0x10: {  	s6 =	sadd.s32 s8, s6;
	s8 =	simm.s32 $0x1;
	s9 =	simm.s32 $0x80  }
0x11: {  	s4 =	sadd.s32 $0x400, s4;
	s5 =	smax.u32 s7, $0x1;
	s7 =	sadd.s32 $0x1800, s31  }
.LBB2_3:
0x12: {  	_ =	swait.ge [sflag:s21], $0x4000  }
0x13: {  	[sflag:s21] =	ssyncset.done $0x0  }
0x14: {  	[sflag:s21] =	ssyncadd.s32 $0xFFFFC000  }
0x15: {  	_ =	swait.ge [sflag:s22], $0x4000  }
0x16: {  	[sflag:s22] =	ssyncset.done $0x0  }
0x17: {  	[sflag:s22] =	ssyncadd.s32 $0xFFFFC000  }
0x18: {  	_ =	swait.ge [sflag:s23], $0x4000  }
0x19: {  	[sflag:s23] =	ssyncset.done $0x0  }
0x1a: {  	[sflag:s23] =	ssyncadd.s32 $0xFFFFC000  }
.LBB2_5:
0x1b: {  	s24 =	sadd.s32 $0x1, s24  }
0x1c: {  	p0 =	sne.s32 s24, s5  }
.Ltmp1:
0x1d: {  	_ = 	snop;
	(pc) =	sbr.rel @!p0 .LBB2_6-.Ltmp1, $1  }
0x1e: {  	_ =	sdelay $0x3  }
.LBB2_1:
0x1f: {  	[tilespmem:s3], [sflag:$0x1] =	stream.linear.gather [hbm4b:s4+s3], $0x6400, $0x38;
	[tilespmem:$0x16400] =	vst v63  }
0x20: {  	_ =	swait.ge [sflag:s8], $0x6400  }
0x21: {  	[sflag:s8] =	ssyncset.done $0x0  }
0x22: {  	[sflag:s8] =	ssyncadd.s32 $0xFFFF9C00  }
0x23: {  	[tilespmem:s10], [sflag:$0x2] =	stream.indirect.gather [hbm4b:s1+s9], $0x80, s3, s9, $0xb8;
	[tilespmem:$0x16400] =	vst v63  }
0x24: {  	_ = 	snop  }
0x25: {  	[tilespmem:s11], [sflag:$0x3] =	stream.indirect.gather [hbm4b:s1+s9], $0x80, s9, s9, $0xb8;
	[tilespmem:$0x16400] =	vst v63  }
0x26: {  	_ = 	snop  }
0x27: {  	[tilespmem:s13], [sflag:$0x4] =	stream.indirect.gather [hbm4b:s1+s9], $0x80, s12, s9, $0xb8;
	[tilespmem:$0x16400] =	vst v63  }
0x28: {  	s25 =	smov.u32 s7;
	s26 =	smov.u32 s6;
	s28 =	simm.s32 $0x0  }
0x29: {  	[tilespmem:s15], [sflag:$0x5] =	stream.indirect.gather [hbm4b:s1+s9], $0x80, s14, s9, $0xb8;
	[tilespmem:$0x16400] =	vst v63  }
.LBB2_2:
0x2a: {  	_ =	swait.ge [sflag:s16], $0x4000  }
0x2b: {  	[sflag:s16] =	ssyncset.done $0x0  }
0x2c: {  	[sflag:s16] =	ssyncadd.s32 $0xFFFFC000  }
0x2d: {  	[hbm4b:s26+s3] =	stream.linear.scatter [tilespmem:s10], [sflag:$0x6], $0x4000, $0x38;
	[tilespmem:$0x16400] =	vst v63  }
0x2e: {  	_ =	swait.ge [sflag:s17], $0x4000  }
0x2f: {  	[sflag:s17] =	ssyncset.done $0x0  }
0x30: {  	s29 =	sadd.s32 $0xFFFFF000, s25;
	[sflag:s17] =	ssyncadd.s32 $0xFFFFC000  }
0x31: {  	[hbm4b:s29+s3] =	stream.linear.scatter [tilespmem:s11], [sflag:$0x7], $0x4000, $0x38;
	[tilespmem:$0x16400] =	vst v63  }
0x32: {  	_ =	swait.ge [sflag:s18], $0x4000  }
0x33: {  	[sflag:s18] =	ssyncset.done $0x0  }
0x34: {  	s31 =	sadd.s32 $0xFFFFF800, s25;
	[sflag:s18] =	ssyncadd.s32 $0xFFFFC000  }
0x35: {  	[hbm4b:s31+s3] =	stream.linear.scatter [tilespmem:s13], [sflag:$0x8], $0x4000, $0x38;
	[tilespmem:$0x16400] =	vst v63  }
0x36: {  	_ =	swait.ge [sflag:s19], $0x4000  }
0x37: {  	p0 =	sne.s32 s28, $0x18800;
	[sflag:s19] =	ssyncset.done $0x0  }
.Ltmp2:
0x38: {  	[sflag:s19] =	ssyncadd.s32 $0xFFFFC000;
	(pc) =	sbr.rel @!p0 .LBB2_3-.Ltmp2, $4  }
0x39: {  	[hbm4b:s25+s3] =	stream.linear.scatter [tilespmem:s15], [sflag:$0x9], $0x4000, $0x38;
	[tilespmem:$0x16400] =	vst v63  }
0x3a: {  	_ =	swait.ge [sflag:s20], $0x4000  }
0x3b: {  	[sflag:s20] =	ssyncset.done $0x0  }
0x3c: {  	[sflag:s20] =	ssyncadd.s32 $0xFFFFC000  }
0x3d: {  	s29 =	sshra.s32 s28, $0x2  }
0x3e: {  	s30 =	sadd.s32 $0x200, s29  }
0x3f: {  	[tilespmem:s10], [sflag:$0x2] =	stream.indirect.gather [hbm4b:s1+s9], $0x80, s30, s9, $0xb8;
	[tilespmem:$0x16400] =	vst v63  }
0x40: {  	_ =	swait.ge [sflag:s21], $0x4000  }
0x41: {  	[sflag:s21] =	ssyncset.done $0x0  }
0x42: {  	s31 =	sadd.s32 $0x280, s29;
	[sflag:s21] =	ssyncadd.s32 $0xFFFFC000  }
0x43: {  	[tilespmem:s11], [sflag:$0x3] =	stream.indirect.gather [hbm4b:s1+s9], $0x80, s31, s9, $0xb8;
	[tilespmem:$0x16400] =	vst v63  }
0x44: {  	_ =	swait.ge [sflag:s22], $0x4000  }
0x45: {  	s28 =	sadd.s32 $0x800, s28;
	[sflag:s22] =	ssyncset.done $0x0  }
0x46: {  	p0 =	sne.s32 s28, $0x19000;
	s31 =	sadd.s32 $0x300, s29;
	[sflag:s22] =	ssyncadd.s32 $0xFFFFC000  }
0x47: {  	[tilespmem:s13], [sflag:$0x4] =	stream.indirect.gather [hbm4b:s1+s9], $0x80, s31, s9, $0xb8;
	[tilespmem:$0x16400] =	vst v63  }
.Ltmp3:
0x48: {  	_ = 	snop;
	(pc) =	sbr.rel @p0 .LBB2_2-.Ltmp3, $4  }
.Ltmp4:
0x49: {  	_ =	swait.ge [sflag:s23], $0x4000;
	(pc) =	sbr.rel @!p0 .LBB2_5-.Ltmp4, $4  }
0x4a: {  	s26 =	sadd.s32 $0x2000, s26;
	[sflag:s23] =	ssyncset.done $0x0  }
0x4b: {  	s25 =	sadd.s32 $0x2000, s25;
	s29 =	sadd.s32 $0x380, s29;
	[sflag:s23] =	ssyncadd.s32 $0xFFFFC000  }
0x4c: {  	[tilespmem:s15], [sflag:$0x5] =	stream.indirect.gather [hbm4b:s1+s9], $0x80, s29, s9, $0xb8;
	[tilespmem:$0x16400] =	vst v63  }
0x4d: {  	_ = 	snop  }
.LBB2_6:
0x4e: {  	_ =	sfence.sel $0x180000  }
0x4f: {  	[bflag:$0x0] =	sbarrier.arrive $0xFFFF  }
0x50: {  	p0 =	sne.s32 s0, $0x0;
	_ =	strace $0x90000047  }
0x51: {  	s0 =	sadd.s32 @!p0 $0x100000, s2;
	[bflag:$0x2] =	sbarrier.arrive $0xFFFF  }
0x52: {  	[sflag:s0] =	ssyncadd.tile.s32 @!p0 $0x1;
	_ =	shalt  }
.Lfunc_end2:
_tile_overlayer_lowered:
.L_overlay_start_2:
0x53: {  	(tag) =	ssettag $0x2  }
0x54: {  	s0 =	rddreg [dreg:$0x0];
	s2 =	stileid.u32  }
0x55: {  	s1 =	rddreg [dreg:$0x1];
	p0 =	sne.s32 s2, $0x0  }
0x56: {  	s3 =	rddreg [dreg:$0x2];
	[bflag:$0x3] =	sbarrier.arrive $0xFFFF;
	s2 =	simm.s32 @!p0 $0x1C0A  }
0x57: {  	[timem:s3], [sflag:s2] =	dma.local @!p0 [hbm:s0], s1  }
0x58: {  	s0 =	simm.s32 @!p0 $0xA  }
0x59: {  	_ =	swait.ge @!p0 [sflag:s0], s1  }
0x5a: {  	s1 =	ssub.s32 @!p0 $0x0, s1;
	[sflag:s0] =	ssyncset.done @!p0 $0x0  }
0x5b: {  	[sflag:s0] =	ssyncadd.s32 @!p0 s1  }
0x5c: {  	[bflag:$0x3] =	sbarrier.arrive $0xFFFF  }
0x5d: {  	_ =	shalt  }

</sc_bundles>
